<compile_context>
chip_gen: v7x
topology: tpu7x:2x2x1
jax: 0.10.2.dev20260603
libtpu: 0.0.44.dev20260713+nightly
codegen_flags: <defaults>
</compile_context>

<pallas_src>
import functools

import jax
import jax.numpy as jnp
from jax import lax
from jax.experimental import pallas as pl
from jax.experimental.pallas import tpu as pltpu
from jax.experimental.pallas import tpu_sc as plsc

BATCH = 4096
DIM = 128
CHUNKS = ((0, 48), (48, 48), (96, 32))
NCHUNK = len(CHUNKS)


def _build():
    info = plsc.get_sparse_core_info()
    nc, ns, lanes = info.num_cores, info.num_subcores, info.num_lanes
    nw = nc * ns
    bpw = BATCH // nw

    mesh = plsc.VectorSubcoreMesh(core_axis_name="c", subcore_axis_name="s")

    @functools.partial(
        pl.kernel,
        mesh=mesh,
        out_type=jax.ShapeDtypeStruct((BATCH, DIM), jnp.float32),
        scratch_types=[
            pltpu.VMEM((bpw,), jnp.int32),
            pltpu.VMEM((bpw, DIM), jnp.float32),
            pltpu.SemaphoreType.DMA,
        ]
        + [pltpu.SemaphoreType.DMA] * (3 * NCHUNK),
    )
    def sc_kernel(x_hbm, idx_hbm, delta_hbm, out_hbm, idx_v, x_v, semi, *sems):
        wid = lax.axis_index("s") * nc + lax.axis_index("c")
        base = wid * bpw
        semx = sems[:NCHUNK]
        semg = sems[NCHUNK : 2 * NCHUNK]
        semo = sems[2 * NCHUNK :]
        def copy_x(c):
            off, sz = CHUNKS[c]
            return pltpu.async_copy(
                x_hbm.at[pl.ds(base + off, sz)], x_v.at[pl.ds(off, sz)], semx[c]
            )

        def gather_add(c):
            off, sz = CHUNKS[c]
            return pltpu.async_copy(
                delta_hbm.at[idx_v.at[pl.ds(off, sz)]],
                x_v.at[pl.ds(off, sz)],
                semg[c],
                add=True,
            )

        def copy_out(c):
            off, sz = CHUNKS[c]
            return pltpu.async_copy(
                x_v.at[pl.ds(off, sz)], out_hbm.at[pl.ds(base + off, sz)], semo[c]
            )

        ci = pltpu.async_copy(idx_hbm.at[pl.ds(base, bpw)], idx_v, semi)
        cx = [copy_x(0)]
        ci.wait()
        cx[0].wait()
        g = [gather_add(0)]
        o = []
        for c in range(1, NCHUNK):
            cx.append(copy_x(c))
            g[c - 1].wait()
            o.append(copy_out(c - 1))
            cx[c].wait()
            g.append(gather_add(c))
        g[NCHUNK - 1].wait()
        o.append(copy_out(NCHUNK - 1))
        for c in range(NCHUNK):
            o[c].wait()

    return sc_kernel


_sc_kernel = _build()


@jax.jit
def kernel(x, idx, delta):
    return _sc_kernel(x, idx.astype(jnp.int32), delta)

# --- scband reference (transcript-rebuilt; emitter-appended) ---
"""Pipeline reference for scband-linear-transform-78391743087056 (READ-ONLY COPY).

The authoritative reference and input builder live on the scoring server;
editing this copy changes nothing except your own understanding.
"""

import jax, jax.numpy as jnp
import numpy as np

EMBEDDING_SIZE = 100000
EMBEDDING_DIM = 128
BATCH = 4096

def setup_inputs(seed: int = 0) -> dict:
    key = jax.random.key(seed)
    k1, k2 = jax.random.split(key)
    x = jax.random.normal(k1, (BATCH, EMBEDDING_DIM), dtype=jnp.float32)
    idx = jax.random.randint(k2, (BATCH,), 0, EMBEDDING_SIZE, dtype=jnp.int64 if jax.config.jax_enable_x64 else jnp.int32)
    # Learned parameter: delta, initialized to zeros in the original module.
    delta = jnp.zeros((EMBEDDING_SIZE, EMBEDDING_DIM), dtype=jnp.float32)
    return {"x": x, "idx": idx, "delta": delta}

def reference(x, idx, delta):
    # Faithful translation of LinearTransform.forward with idx provided:
    # gather rows of delta by idx and add to x.
    gathered = jnp.take(delta, idx, axis=0)
    return x + gathered

if __name__ == "__main__":
    import jax
    _d = setup_inputs()
    print(jax.jit(kernel)(*tuple(_d.values())))

</pallas_src>

<mosaic_0001>
#map = affine_map<(d0, d1) -> (0, 0)>
#map1 = affine_map<(d0, d1) -> (0)>
module attributes {stable_mosaic.version = 14 : i64} {
  func.func @sc_kernel(%arg0: i32, %arg1: i32, %arg2: memref<4096x128xf32, #tpu.memory_space<hbm>>, %arg3: memref<4096xi32, #tpu.memory_space<hbm>>, %arg4: memref<100000x128xf32, #tpu.memory_space<hbm>>, %arg5: memref<4096x128xf32, #tpu.memory_space<hbm>>, %arg6: memref<128xi32, #tpu.memory_space<vmem>>, %arg7: memref<128x128xf32, #tpu.memory_space<vmem>>, %arg8: memref<!tpu.dma_semaphore, #tpu.memory_space<semaphore_mem>>, %arg9: memref<!tpu.dma_semaphore, #tpu.memory_space<semaphore_mem>>, %arg10: memref<!tpu.dma_semaphore, #tpu.memory_space<semaphore_mem>>, %arg11: memref<!tpu.dma_semaphore, #tpu.memory_space<semaphore_mem>>, %arg12: memref<!tpu.dma_semaphore, #tpu.memory_space<semaphore_mem>>, %arg13: memref<!tpu.dma_semaphore, #tpu.memory_space<semaphore_mem>>, %arg14: memref<!tpu.dma_semaphore, #tpu.memory_space<semaphore_mem>>, %arg15: memref<!tpu.dma_semaphore, #tpu.memory_space<semaphore_mem>>, %arg16: memref<!tpu.dma_semaphore, #tpu.memory_space<semaphore_mem>>, %arg17: memref<!tpu.dma_semaphore, #tpu.memory_space<semaphore_mem>>) attributes {dimension_semantics = [#tpu.dimension_semantics<core_parallel>, #tpu.dimension_semantics<subcore_parallel>], iteration_bounds = array<i64: 2, 16>, scalar_prefetch = 0 : i64, scratch_operands = 12 : i64, tpu.core_type = #tpu.core_type<sc_vector_subcore>, window_params = [{transform_indices = #map}, {transform_indices = #map1}, {transform_indices = #map}, {transform_indices = #map}]} {
    %mul3A = arith.constant 2 : i32
    %mul3A_0 = arith.muli %arg1, %mul3A : i32
    %add3A = arith.addi %mul3A_0, %arg0 : i32
    %mul3A_1 = arith.constant 128 : i32
    %mul3A_2 = arith.muli %add3A, %mul3A_1 : i32
    %dma_start3A = tpu.memref_slice %arg3[%mul3A_2] : memref<4096xi32, #tpu.memory_space<hbm>> -> memref<128xi32, #tpu.memory_space<hbm>>
    %dma_start3A_3 = tpu.memref_slice %arg3[%mul3A_2] : memref<4096xi32, #tpu.memory_space<hbm>> -> memref<128xi32, #tpu.memory_space<hbm>>
    tpu.enqueue_dma source(%dma_start3A_3 : memref<128xi32, #tpu.memory_space<hbm>>) target(%arg6 : memref<128xi32, #tpu.memory_space<vmem>>) target_semaphore(%arg8 : memref<!tpu.dma_semaphore, #tpu.memory_space<semaphore_mem>>)
    %add3A_4 = arith.constant 0 : i32
    %add3A_5 = arith.addi %mul3A_2, %add3A_4 : i32
    %dma_start3A_6 = arith.constant 0 : i32
    %dma_start3A_7 = arith.constant 0 : i32
    %dma_start3A_8 = tpu.memref_slice %arg7[%dma_start3A_6, %dma_start3A_7] : memref<128x128xf32, #tpu.memory_space<vmem>> -> memref<48x128xf32, #tpu.memory_space<vmem>>
    %dma_start3A_9 = arith.constant 0 : i32
    %dma_start3A_10 = tpu.memref_slice %arg2[%add3A_5, %dma_start3A_9] : memref<4096x128xf32, #tpu.memory_space<hbm>> -> memref<48x128xf32, #tpu.memory_space<hbm>>
    %dma_start3A_11 = arith.constant 0 : i32
    %dma_start3A_12 = arith.constant 0 : i32
    %dma_start3A_13 = tpu.memref_slice %arg7[%dma_start3A_11, %dma_start3A_12] : memref<128x128xf32, #tpu.memory_space<vmem>> -> memref<48x128xf32, #tpu.memory_space<vmem>>
    %dma_start3A_14 = arith.constant 0 : i32
    %dma_start3A_15 = tpu.memref_slice %arg2[%add3A_5, %dma_start3A_14] : memref<4096x128xf32, #tpu.memory_space<hbm>> -> memref<48x128xf32, #tpu.memory_space<hbm>>
    tpu.enqueue_dma source(%dma_start3A_15 : memref<48x128xf32, #tpu.memory_space<hbm>>) target(%dma_start3A_13 : memref<48x128xf32, #tpu.memory_space<vmem>>) target_semaphore(%arg9 : memref<!tpu.dma_semaphore, #tpu.memory_space<semaphore_mem>>)
    %dma_wait3A = tpu.memref_slice %arg3[%mul3A_2] : memref<4096xi32, #tpu.memory_space<hbm>> -> memref<128xi32, #tpu.memory_space<hbm>>
    %dma_wait3A_16 = tpu.memref_slice %arg3[%mul3A_2] : memref<4096xi32, #tpu.memory_space<hbm>> -> memref<128xi32, #tpu.memory_space<hbm>>
    tpu.wait_dma2 semaphore(%arg8 : memref<!tpu.dma_semaphore, #tpu.memory_space<semaphore_mem>>) src(%dma_wait3A_16 : memref<128xi32, #tpu.memory_space<hbm>>) dst(%arg6 : memref<128xi32, #tpu.memory_space<vmem>>)
    %dma_wait3A_17 = arith.constant 0 : i32
    %dma_wait3A_18 = arith.constant 0 : i32
    %dma_wait3A_19 = tpu.memref_slice %arg7[%dma_wait3A_17, %dma_wait3A_18] : memref<128x128xf32, #tpu.memory_space<vmem>> -> memref<48x128xf32, #tpu.memory_space<vmem>>
    %dma_wait3A_20 = arith.constant 0 : i32
    %dma_wait3A_21 = tpu.memref_slice %arg2[%add3A_5, %dma_wait3A_20] : memref<4096x128xf32, #tpu.memory_space<hbm>> -> memref<48x128xf32, #tpu.memory_space<hbm>>
    %dma_wait3A_22 = arith.constant 0 : i32
    %dma_wait3A_23 = arith.constant 0 : i32
    %dma_wait3A_24 = tpu.memref_slice %arg7[%dma_wait3A_22, %dma_wait3A_23] : memref<128x128xf32, #tpu.memory_space<vmem>> -> memref<48x128xf32, #tpu.memory_space<vmem>>
    %dma_wait3A_25 = arith.constant 0 : i32
    %dma_wait3A_26 = tpu.memref_slice %arg2[%add3A_5, %dma_wait3A_25] : memref<4096x128xf32, #tpu.memory_space<hbm>> -> memref<48x128xf32, #tpu.memory_space<hbm>>
    tpu.wait_dma2 semaphore(%arg9 : memref<!tpu.dma_semaphore, #tpu.memory_space<semaphore_mem>>) src(%dma_wait3A_26 : memref<48x128xf32, #tpu.memory_space<hbm>>) dst(%dma_wait3A_24 : memref<48x128xf32, #tpu.memory_space<vmem>>)
    %dma_start3A_27 = arith.constant 0 : i32
    %dma_start3A_28 = arith.constant 0 : i32
    %dma_start3A_29 = tpu.memref_slice %arg7[%dma_start3A_27, %dma_start3A_28] : memref<128x128xf32, #tpu.memory_space<vmem>> -> memref<48x128xf32, #tpu.memory_space<vmem>>
    %dma_start3A_30 = arith.constant 0 : i32
    %dma_start3A_31 = tpu.memref_slice %arg6[%dma_start3A_30] : memref<128xi32, #tpu.memory_space<vmem>> -> memref<48xi32, #tpu.memory_space<vmem>>
    %dma_start3A_32 = arith.constant 0 : i32
    %dma_start3A_33 = arith.constant 0 : i32
    %dma_start3A_34 = tpu.memref_slice %arg4[%dma_start3A_32, %dma_start3A_33] : memref<100000x128xf32, #tpu.memory_space<hbm>> -> memref<100000x128xf32, #tpu.memory_space<hbm>>
    tpu.enqueue_indirect_dma source(%dma_start3A_34 : memref<100000x128xf32, #tpu.memory_space<hbm>>) target(%dma_start3A_29 : memref<48x128xf32, #tpu.memory_space<vmem>>) offsets(%dma_start3A_31 : memref<48xi32, #tpu.memory_space<vmem>>) semaphore(%arg12 : memref<!tpu.dma_semaphore, #tpu.memory_space<semaphore_mem>>) {add = true}
    %add3A_35 = arith.constant 48 : i32
    %add3A_36 = arith.addi %mul3A_2, %add3A_35 : i32
    %dma_start3A_37 = arith.constant 48 : i32
    %dma_start3A_38 = arith.constant 0 : i32
    %dma_start3A_39 = tpu.memref_slice %arg7[%dma_start3A_37, %dma_start3A_38] : memref<128x128xf32, #tpu.memory_space<vmem>> -> memref<48x128xf32, #tpu.memory_space<vmem>>
    %dma_start3A_40 = arith.constant 0 : i32
    %dma_start3A_41 = tpu.memref_slice %arg2[%add3A_36, %dma_start3A_40] : memref<4096x128xf32, #tpu.memory_space<hbm>> -> memref<48x128xf32, #tpu.memory_space<hbm>>
    %dma_start3A_42 = arith.constant 48 : i32
    %dma_start3A_43 = arith.constant 0 : i32
    %dma_start3A_44 = tpu.memref_slice %arg7[%dma_start3A_42, %dma_start3A_43] : memref<128x128xf32, #tpu.memory_space<vmem>> -> memref<48x128xf32, #tpu.memory_space<vmem>>
    %dma_start3A_45 = arith.constant 0 : i32
    %dma_start3A_46 = tpu.memref_slice %arg2[%add3A_36, %dma_start3A_45] : memref<4096x128xf32, #tpu.memory_space<hbm>> -> memref<48x128xf32, #tpu.memory_space<hbm>>
    tpu.enqueue_dma source(%dma_start3A_46 : memref<48x128xf32, #tpu.memory_space<hbm>>) target(%dma_start3A_44 : memref<48x128xf32, #tpu.memory_space<vmem>>) target_semaphore(%arg10 : memref<!tpu.dma_semaphore, #tpu.memory_space<semaphore_mem>>)
    %dma_wait3A_47 = arith.constant 0 : i32
    %dma_wait3A_48 = arith.constant 0 : i32
    %dma_wait3A_49 = tpu.memref_slice %arg7[%dma_wait3A_47, %dma_wait3A_48] : memref<128x128xf32, #tpu.memory_space<vmem>> -> memref<48x128xf32, #tpu.memory_space<vmem>>
    %dma_wait3A_50 = arith.constant 0 : i32
    %dma_wait3A_51 = tpu.memref_slice %arg6[%dma_wait3A_50] : memref<128xi32, #tpu.memory_space<vmem>> -> memref<48xi32, #tpu.memory_space<vmem>>
    %dma_wait3A_52 = arith.constant 0 : i32
    %dma_wait3A_53 = arith.constant 0 : i32
    %dma_wait3A_54 = tpu.memref_slice %arg4[%dma_wait3A_52, %dma_wait3A_53] : memref<100000x128xf32, #tpu.memory_space<hbm>> -> memref<100000x128xf32, #tpu.memory_space<hbm>>
    tpu.wait_indirect_dma semaphore(%arg12 : memref<!tpu.dma_semaphore, #tpu.memory_space<semaphore_mem>>) src(%dma_wait3A_54 : memref<100000x128xf32, #tpu.memory_space<hbm>>) dst(%dma_wait3A_49 : memref<48x128xf32, #tpu.memory_space<vmem>>)
    %add3A_55 = arith.constant 0 : i32
    %add3A_56 = arith.addi %mul3A_2, %add3A_55 : i32
    %dma_start3A_57 = arith.constant 0 : i32
    %dma_start3A_58 = arith.constant 0 : i32
    %dma_start3A_59 = tpu.memref_slice %arg7[%dma_start3A_57, %dma_start3A_58] : memref<128x128xf32, #tpu.memory_space<vmem>> -> memref<48x128xf32, #tpu.memory_space<vmem>>
    %dma_start3A_60 = arith.constant 0 : i32
    %dma_start3A_61 = tpu.memref_slice %arg5[%add3A_56, %dma_start3A_60] : memref<4096x128xf32, #tpu.memory_space<hbm>> -> memref<48x128xf32, #tpu.memory_space<hbm>>
    %dma_start3A_62 = arith.constant 0 : i32
    %dma_start3A_63 = tpu.memref_slice %arg5[%add3A_56, %dma_start3A_62] : memref<4096x128xf32, #tpu.memory_space<hbm>> -> memref<48x128xf32, #tpu.memory_space<hbm>>
    %dma_start3A_64 = arith.constant 0 : i32
    %dma_start3A_65 = arith.constant 0 : i32
    %dma_start3A_66 = tpu.memref_slice %arg7[%dma_start3A_64, %dma_start3A_65] : memref<128x128xf32, #tpu.memory_space<vmem>> -> memref<48x128xf32, #tpu.memory_space<vmem>>
    tpu.enqueue_dma source(%dma_start3A_66 : memref<48x128xf32, #tpu.memory_space<vmem>>) target(%dma_start3A_63 : memref<48x128xf32, #tpu.memory_space<hbm>>) target_semaphore(%arg15 : memref<!tpu.dma_semaphore, #tpu.memory_space<semaphore_mem>>)
    %dma_wait3A_67 = arith.constant 48 : i32
    %dma_wait3A_68 = arith.constant 0 : i32
    %dma_wait3A_69 = tpu.memref_slice %arg7[%dma_wait3A_67, %dma_wait3A_68] : memref<128x128xf32, #tpu.memory_space<vmem>> -> memref<48x128xf32, #tpu.memory_space<vmem>>
    %dma_wait3A_70 = arith.constant 0 : i32
    %dma_wait3A_71 = tpu.memref_slice %arg2[%add3A_36, %dma_wait3A_70] : memref<4096x128xf32, #tpu.memory_space<hbm>> -> memref<48x128xf32, #tpu.memory_space<hbm>>
    %dma_wait3A_72 = arith.constant 48 : i32
    %dma_wait3A_73 = arith.constant 0 : i32
    %dma_wait3A_74 = tpu.memref_slice %arg7[%dma_wait3A_72, %dma_wait3A_73] : memref<128x128xf32, #tpu.memory_space<vmem>> -> memref<48x128xf32, #tpu.memory_space<vmem>>
    %dma_wait3A_75 = arith.constant 0 : i32
    %dma_wait3A_76 = tpu.memref_slice %arg2[%add3A_36, %dma_wait3A_75] : memref<4096x128xf32, #tpu.memory_space<hbm>> -> memref<48x128xf32, #tpu.memory_space<hbm>>
    tpu.wait_dma2 semaphore(%arg10 : memref<!tpu.dma_semaphore, #tpu.memory_space<semaphore_mem>>) src(%dma_wait3A_76 : memref<48x128xf32, #tpu.memory_space<hbm>>) dst(%dma_wait3A_74 : memref<48x128xf32, #tpu.memory_space<vmem>>)
    %dma_start3A_77 = arith.constant 48 : i32
    %dma_start3A_78 = arith.constant 0 : i32
    %dma_start3A_79 = tpu.memref_slice %arg7[%dma_start3A_77, %dma_start3A_78] : memref<128x128xf32, #tpu.memory_space<vmem>> -> memref<48x128xf32, #tpu.memory_space<vmem>>
    %dma_start3A_80 = arith.constant 48 : i32
    %dma_start3A_81 = tpu.memref_slice %arg6[%dma_start3A_80] : memref<128xi32, #tpu.memory_space<vmem>> -> memref<48xi32, #tpu.memory_space<vmem>>
    %dma_start3A_82 = arith.constant 0 : i32
    %dma_start3A_83 = arith.constant 0 : i32
    %dma_start3A_84 = tpu.memref_slice %arg4[%dma_start3A_82, %dma_start3A_83] : memref<100000x128xf32, #tpu.memory_space<hbm>> -> memref<100000x128xf32, #tpu.memory_space<hbm>>
    tpu.enqueue_indirect_dma source(%dma_start3A_84 : memref<100000x128xf32, #tpu.memory_space<hbm>>) target(%dma_start3A_79 : memref<48x128xf32, #tpu.memory_space<vmem>>) offsets(%dma_start3A_81 : memref<48xi32, #tpu.memory_space<vmem>>) semaphore(%arg13 : memref<!tpu.dma_semaphore, #tpu.memory_space<semaphore_mem>>) {add = true}
    %add3A_85 = arith.constant 96 : i32
    %add3A_86 = arith.addi %mul3A_2, %add3A_85 : i32
    %dma_start3A_87 = arith.constant 96 : i32
    %dma_start3A_88 = arith.constant 0 : i32
    %dma_start3A_89 = tpu.memref_slice %arg7[%dma_start3A_87, %dma_start3A_88] : memref<128x128xf32, #tpu.memory_space<vmem>> -> memref<32x128xf32, #tpu.memory_space<vmem>>
    %dma_start3A_90 = arith.constant 0 : i32
    %dma_start3A_91 = tpu.memref_slice %arg2[%add3A_86, %dma_start3A_90] : memref<4096x128xf32, #tpu.memory_space<hbm>> -> memref<32x128xf32, #tpu.memory_space<hbm>>
    %dma_start3A_92 = arith.constant 96 : i32
    %dma_start3A_93 = arith.constant 0 : i32
    %dma_start3A_94 = tpu.memref_slice %arg7[%dma_start3A_92, %dma_start3A_93] : memref<128x128xf32, #tpu.memory_space<vmem>> -> memref<32x128xf32, #tpu.memory_space<vmem>>
    %dma_start3A_95 = arith.constant 0 : i32
    %dma_start3A_96 = tpu.memref_slice %arg2[%add3A_86, %dma_start3A_95] : memref<4096x128xf32, #tpu.memory_space<hbm>> -> memref<32x128xf32, #tpu.memory_space<hbm>>
    tpu.enqueue_dma source(%dma_start3A_96 : memref<32x128xf32, #tpu.memory_space<hbm>>) target(%dma_start3A_94 : memref<32x128xf32, #tpu.memory_space<vmem>>) target_semaphore(%arg11 : memref<!tpu.dma_semaphore, #tpu.memory_space<semaphore_mem>>)
    %dma_wait3A_97 = arith.constant 48 : i32
    %dma_wait3A_98 = arith.constant 0 : i32
    %dma_wait3A_99 = tpu.memref_slice %arg7[%dma_wait3A_97, %dma_wait3A_98] : memref<128x128xf32, #tpu.memory_space<vmem>> -> memref<48x128xf32, #tpu.memory_space<vmem>>
    %dma_wait3A_100 = arith.constant 48 : i32
    %dma_wait3A_101 = tpu.memref_slice %arg6[%dma_wait3A_100] : memref<128xi32, #tpu.memory_space<vmem>> -> memref<48xi32, #tpu.memory_space<vmem>>
    %dma_wait3A_102 = arith.constant 0 : i32
    %dma_wait3A_103 = arith.constant 0 : i32
    %dma_wait3A_104 = tpu.memref_slice %arg4[%dma_wait3A_102, %dma_wait3A_103] : memref<100000x128xf32, #tpu.memory_space<hbm>> -> memref<100000x128xf32, #tpu.memory_space<hbm>>
    tpu.wait_indirect_dma semaphore(%arg13 : memref<!tpu.dma_semaphore, #tpu.memory_space<semaphore_mem>>) src(%dma_wait3A_104 : memref<100000x128xf32, #tpu.memory_space<hbm>>) dst(%dma_wait3A_99 : memref<48x128xf32, #tpu.memory_space<vmem>>)
    %add3A_105 = arith.constant 48 : i32
    %add3A_106 = arith.addi %mul3A_2, %add3A_105 : i32
    %dma_start3A_107 = arith.constant 48 : i32
    %dma_start3A_108 = arith.constant 0 : i32
    %dma_start3A_109 = tpu.memref_slice %arg7[%dma_start3A_107, %dma_start3A_108] : memref<128x128xf32, #tpu.memory_space<vmem>> -> memref<48x128xf32, #tpu.memory_space<vmem>>
    %dma_start3A_110 = arith.constant 0 : i32
    %dma_start3A_111 = tpu.memref_slice %arg5[%add3A_106, %dma_start3A_110] : memref<4096x128xf32, #tpu.memory_space<hbm>> -> memref<48x128xf32, #tpu.memory_space<hbm>>
    %dma_start3A_112 = arith.constant 0 : i32
    %dma_start3A_113 = tpu.memref_slice %arg5[%add3A_106, %dma_start3A_112] : memref<4096x128xf32, #tpu.memory_space<hbm>> -> memref<48x128xf32, #tpu.memory_space<hbm>>
    %dma_start3A_114 = arith.constant 48 : i32
    %dma_start3A_115 = arith.constant 0 : i32
    %dma_start3A_116 = tpu.memref_slice %arg7[%dma_start3A_114, %dma_start3A_115] : memref<128x128xf32, #tpu.memory_space<vmem>> -> memref<48x128xf32, #tpu.memory_space<vmem>>
    tpu.enqueue_dma source(%dma_start3A_116 : memref<48x128xf32, #tpu.memory_space<vmem>>) target(%dma_start3A_113 : memref<48x128xf32, #tpu.memory_space<hbm>>) target_semaphore(%arg16 : memref<!tpu.dma_semaphore, #tpu.memory_space<semaphore_mem>>)
    %dma_wait3A_117 = arith.constant 96 : i32
    %dma_wait3A_118 = arith.constant 0 : i32
    %dma_wait3A_119 = tpu.memref_slice %arg7[%dma_wait3A_117, %dma_wait3A_118] : memref<128x128xf32, #tpu.memory_space<vmem>> -> memref<32x128xf32, #tpu.memory_space<vmem>>
    %dma_wait3A_120 = arith.constant 0 : i32
    %dma_wait3A_121 = tpu.memref_slice %arg2[%add3A_86, %dma_wait3A_120] : memref<4096x128xf32, #tpu.memory_space<hbm>> -> memref<32x128xf32, #tpu.memory_space<hbm>>
    %dma_wait3A_122 = arith.constant 96 : i32
    %dma_wait3A_123 = arith.constant 0 : i32
    %dma_wait3A_124 = tpu.memref_slice %arg7[%dma_wait3A_122, %dma_wait3A_123] : memref<128x128xf32, #tpu.memory_space<vmem>> -> memref<32x128xf32, #tpu.memory_space<vmem>>
    %dma_wait3A_125 = arith.constant 0 : i32
    %dma_wait3A_126 = tpu.memref_slice %arg2[%add3A_86, %dma_wait3A_125] : memref<4096x128xf32, #tpu.memory_space<hbm>> -> memref<32x128xf32, #tpu.memory_space<hbm>>
    tpu.wait_dma2 semaphore(%arg11 : memref<!tpu.dma_semaphore, #tpu.memory_space<semaphore_mem>>) src(%dma_wait3A_126 : memref<32x128xf32, #tpu.memory_space<hbm>>) dst(%dma_wait3A_124 : memref<32x128xf32, #tpu.memory_space<vmem>>)
    %dma_start3A_127 = arith.constant 96 : i32
    %dma_start3A_128 = arith.constant 0 : i32
    %dma_start3A_129 = tpu.memref_slice %arg7[%dma_start3A_127, %dma_start3A_128] : memref<128x128xf32, #tpu.memory_space<vmem>> -> memref<32x128xf32, #tpu.memory_space<vmem>>
    %dma_start3A_130 = arith.constant 96 : i32
    %dma_start3A_131 = tpu.memref_slice %arg6[%dma_start3A_130] : memref<128xi32, #tpu.memory_space<vmem>> -> memref<32xi32, #tpu.memory_space<vmem>>
    %dma_start3A_132 = arith.constant 0 : i32
    %dma_start3A_133 = arith.constant 0 : i32
    %dma_start3A_134 = tpu.memref_slice %arg4[%dma_start3A_132, %dma_start3A_133] : memref<100000x128xf32, #tpu.memory_space<hbm>> -> memref<100000x128xf32, #tpu.memory_space<hbm>>
    tpu.enqueue_indirect_dma source(%dma_start3A_134 : memref<100000x128xf32, #tpu.memory_space<hbm>>) target(%dma_start3A_129 : memref<32x128xf32, #tpu.memory_space<vmem>>) offsets(%dma_start3A_131 : memref<32xi32, #tpu.memory_space<vmem>>) semaphore(%arg14 : memref<!tpu.dma_semaphore, #tpu.memory_space<semaphore_mem>>) {add = true}
    %dma_wait3A_135 = arith.constant 96 : i32
    %dma_wait3A_136 = arith.constant 0 : i32
    %dma_wait3A_137 = tpu.memref_slice %arg7[%dma_wait3A_135, %dma_wait3A_136] : memref<128x128xf32, #tpu.memory_space<vmem>> -> memref<32x128xf32, #tpu.memory_space<vmem>>
    %dma_wait3A_138 = arith.constant 96 : i32
    %dma_wait3A_139 = tpu.memref_slice %arg6[%dma_wait3A_138] : memref<128xi32, #tpu.memory_space<vmem>> -> memref<32xi32, #tpu.memory_space<vmem>>
    %dma_wait3A_140 = arith.constant 0 : i32
    %dma_wait3A_141 = arith.constant 0 : i32
    %dma_wait3A_142 = tpu.memref_slice %arg4[%dma_wait3A_140, %dma_wait3A_141] : memref<100000x128xf32, #tpu.memory_space<hbm>> -> memref<100000x128xf32, #tpu.memory_space<hbm>>
    tpu.wait_indirect_dma semaphore(%arg14 : memref<!tpu.dma_semaphore, #tpu.memory_space<semaphore_mem>>) src(%dma_wait3A_142 : memref<100000x128xf32, #tpu.memory_space<hbm>>) dst(%dma_wait3A_137 : memref<32x128xf32, #tpu.memory_space<vmem>>)
    %add3A_143 = arith.constant 96 : i32
    %add3A_144 = arith.addi %mul3A_2, %add3A_143 : i32
    %dma_start3A_145 = arith.constant 96 : i32
    %dma_start3A_146 = arith.constant 0 : i32
    %dma_start3A_147 = tpu.memref_slice %arg7[%dma_start3A_145, %dma_start3A_146] : memref<128x128xf32, #tpu.memory_space<vmem>> -> memref<32x128xf32, #tpu.memory_space<vmem>>
    %dma_start3A_148 = arith.constant 0 : i32
    %dma_start3A_149 = tpu.memref_slice %arg5[%add3A_144, %dma_start3A_148] : memref<4096x128xf32, #tpu.memory_space<hbm>> -> memref<32x128xf32, #tpu.memory_space<hbm>>
    %dma_start3A_150 = arith.constant 0 : i32
    %dma_start3A_151 = tpu.memref_slice %arg5[%add3A_144, %dma_start3A_150] : memref<4096x128xf32, #tpu.memory_space<hbm>> -> memref<32x128xf32, #tpu.memory_space<hbm>>
    %dma_start3A_152 = arith.constant 96 : i32
    %dma_start3A_153 = arith.constant 0 : i32
    %dma_start3A_154 = tpu.memref_slice %arg7[%dma_start3A_152, %dma_start3A_153] : memref<128x128xf32, #tpu.memory_space<vmem>> -> memref<32x128xf32, #tpu.memory_space<vmem>>
    tpu.enqueue_dma source(%dma_start3A_154 : memref<32x128xf32, #tpu.memory_space<vmem>>) target(%dma_start3A_151 : memref<32x128xf32, #tpu.memory_space<hbm>>) target_semaphore(%arg17 : memref<!tpu.dma_semaphore, #tpu.memory_space<semaphore_mem>>)
    %dma_wait3A_155 = arith.constant 0 : i32
    %dma_wait3A_156 = arith.constant 0 : i32
    %dma_wait3A_157 = tpu.memref_slice %arg7[%dma_wait3A_155, %dma_wait3A_156] : memref<128x128xf32, #tpu.memory_space<vmem>> -> memref<48x128xf32, #tpu.memory_space<vmem>>
    %dma_wait3A_158 = arith.constant 0 : i32
    %dma_wait3A_159 = tpu.memref_slice %arg5[%add3A_56, %dma_wait3A_158] : memref<4096x128xf32, #tpu.memory_space<hbm>> -> memref<48x128xf32, #tpu.memory_space<hbm>>
    %dma_wait3A_160 = arith.constant 0 : i32
    %dma_wait3A_161 = tpu.memref_slice %arg5[%add3A_56, %dma_wait3A_160] : memref<4096x128xf32, #tpu.memory_space<hbm>> -> memref<48x128xf32, #tpu.memory_space<hbm>>
    %dma_wait3A_162 = arith.constant 0 : i32
    %dma_wait3A_163 = arith.constant 0 : i32
    %dma_wait3A_164 = tpu.memref_slice %arg7[%dma_wait3A_162, %dma_wait3A_163] : memref<128x128xf32, #tpu.memory_space<vmem>> -> memref<48x128xf32, #tpu.memory_space<vmem>>
    tpu.wait_dma2 semaphore(%arg15 : memref<!tpu.dma_semaphore, #tpu.memory_space<semaphore_mem>>) src(%dma_wait3A_164 : memref<48x128xf32, #tpu.memory_space<vmem>>) dst(%dma_wait3A_161 : memref<48x128xf32, #tpu.memory_space<hbm>>)
    %dma_wait3A_165 = arith.constant 48 : i32
    %dma_wait3A_166 = arith.constant 0 : i32
    %dma_wait3A_167 = tpu.memref_slice %arg7[%dma_wait3A_165, %dma_wait3A_166] : memref<128x128xf32, #tpu.memory_space<vmem>> -> memref<48x128xf32, #tpu.memory_space<vmem>>
    %dma_wait3A_168 = arith.constant 0 : i32
    %dma_wait3A_169 = tpu.memref_slice %arg5[%add3A_106, %dma_wait3A_168] : memref<4096x128xf32, #tpu.memory_space<hbm>> -> memref<48x128xf32, #tpu.memory_space<hbm>>
    %dma_wait3A_170 = arith.constant 0 : i32
    %dma_wait3A_171 = tpu.memref_slice %arg5[%add3A_106, %dma_wait3A_170] : memref<4096x128xf32, #tpu.memory_space<hbm>> -> memref<48x128xf32, #tpu.memory_space<hbm>>
    %dma_wait3A_172 = arith.constant 48 : i32
    %dma_wait3A_173 = arith.constant 0 : i32
    %dma_wait3A_174 = tpu.memref_slice %arg7[%dma_wait3A_172, %dma_wait3A_173] : memref<128x128xf32, #tpu.memory_space<vmem>> -> memref<48x128xf32, #tpu.memory_space<vmem>>
    tpu.wait_dma2 semaphore(%arg16 : memref<!tpu.dma_semaphore, #tpu.memory_space<semaphore_mem>>) src(%dma_wait3A_174 : memref<48x128xf32, #tpu.memory_space<vmem>>) dst(%dma_wait3A_171 : memref<48x128xf32, #tpu.memory_space<hbm>>)
    %dma_wait3A_175 = arith.constant 96 : i32
    %dma_wait3A_176 = arith.constant 0 : i32
    %dma_wait3A_177 = tpu.memref_slice %arg7[%dma_wait3A_175, %dma_wait3A_176] : memref<128x128xf32, #tpu.memory_space<vmem>> -> memref<32x128xf32, #tpu.memory_space<vmem>>
    %dma_wait3A_178 = arith.constant 0 : i32
    %dma_wait3A_179 = tpu.memref_slice %arg5[%add3A_144, %dma_wait3A_178] : memref<4096x128xf32, #tpu.memory_space<hbm>> -> memref<32x128xf32, #tpu.memory_space<hbm>>
    %dma_wait3A_180 = arith.constant 0 : i32
    %dma_wait3A_181 = tpu.memref_slice %arg5[%add3A_144, %dma_wait3A_180] : memref<4096x128xf32, #tpu.memory_space<hbm>> -> memref<32x128xf32, #tpu.memory_space<hbm>>
    %dma_wait3A_182 = arith.constant 96 : i32
    %dma_wait3A_183 = arith.constant 0 : i32
    %dma_wait3A_184 = tpu.memref_slice %arg7[%dma_wait3A_182, %dma_wait3A_183] : memref<128x128xf32, #tpu.memory_space<vmem>> -> memref<32x128xf32, #tpu.memory_space<vmem>>
    tpu.wait_dma2 semaphore(%arg17 : memref<!tpu.dma_semaphore, #tpu.memory_space<semaphore_mem>>) src(%dma_wait3A_184 : memref<32x128xf32, #tpu.memory_space<vmem>>) dst(%dma_wait3A_181 : memref<32x128xf32, #tpu.memory_space<hbm>>)
    return
  }
}

</mosaic_0001>

<sc_bundles>
// kernel: kernel.3.cloned.1.call-start
scs
__scs_entry_jumppad:
0x0: {  	(pc) =	sbr.rel $0x88, $3  }
0x1: {  	(tag) =	ssettag $0x0;
	lr =	simm.s32 $0x1  }
0x2: {  	[smem:$0x3F9E] =	sst lr;
	_ =	strace $0xD0000000  }
0x3: {  	_ = 	snop  }
0x4: {  	_ = 	snop  }
0x5: {  	_ = 	snop  }
0x6: {  	_ = 	snop  }
0x7: {  	_ = 	snop  }
__scs_overlays_trampoline_lowered:
0x8: {  	[smem:$0x3FAD] =	sst s0  }
0x9: {  	[smem:$0x3FAE] =	sst s1  }
0xa: {  	[smem:$0x3FAF] =	sst s2  }
0xb: {  	[smem:$0x3FB0] =	sst s3  }
0xc: {  	[smem:$0x3FB1] =	sst s4  }
0xd: {  	[smem:$0x3FB2] =	sst s5  }
0xe: {  	[smem:$0x3FB3] =	sst s6  }
0xf: {  	[smem:$0x3FB4] =	sst s7  }
0x10: {  	[smem:$0x3FB5] =	sst s8  }
0x11: {  	[smem:$0x3FB6] =	sst s9;
	s0 =	simm.s32 @!p0 $0x0  }
0x12: {  	s1 =	sld [smem:$0x3F9C];
	s0 =	simm.s32 @p0 $0x1  }
0x13: {  	[smem:$0x3FB7] =	sst s0;
	s0 =	simm.s32 @!p1 $0x0  }
0x14: {  	s2 =	sld [smem:$0x3F9B];
	s0 =	simm.s32 @p1 $0x1  }
0x15: {  	[smem:$0x3FB8] =	sst s0;
	s0 =	simm.s32 @!p2 $0x0  }
0x16: {  	s3 =	sld [smem:$0x3FDB];
	s0 =	simm.s32 @p2 $0x1  }
0x17: {  	s4 =	simm.s32 $0x1BF5;
	[smem:$0x3FBA] =	sst s0  }
0x18: {  	s0 =	sld [smem:$0x3F9D];
	_ =	swait.ge [sflag:s4], $0x0  }
0x19: {  	s7 =	sld [smem:$0x3F9E]  }
0x1a: {  	s8 =	sadd.s32 $0xFFFFE003, lr  }
0x1b: {  	s9 =	sadd.s32 $0xFFFFFEF7, lr;
	s5 =	simm.s32 $0xFFFFFFFF;
	p2 =	slt.u32 s8, $0xFFFFF086  }
0x1c: {  	p1 =	slt.u32 s9, $0xF7A;
	s5 =	simm.s32 @!p2 $0x0  }
0x1d: {  	s5 =	simm.s32 @p1 $0x1;
	p0 =	seq.s32 s7, s2  }
0x1e: {  	s7 =	smul.u32 @!p0 $0xF7A, s2;
	p2 =	seq.s32 @!p0 s5, $0x0  }
0x1f: {  	s9 =	smul.u32 $0xF7A, s1;
	s8 =	simm.s32 @!p0 $0x1BF5;
	p2 =	por !p2, p0  }
0x20: {  	[sflag:s8] =	ssyncset.s32 @!p0 $0xFFFFF086;
	s6 =	sadd.s32 @!p0 s3, s7;
	s7 =	simm.s32 @!p0 $0x108  }
0x21: {  	s3 =	sadd.s32 s3, s9;
	s6 =	sadd.s32 @!p0 $0x88, s6;
	s7 =	simm.s32 @p2 $0x1082  }
0x22: {  	[simem:s7], [sflag:s8] =	dma.local @!p0 [hbm:s6], $0xF7A  }
0x23: {  	s9 =	sor.u32 $0xD0000000, s2;
	s6 =	simm.s32 $0x108;
	_ =	swait.ge @!p0 [sflag:s8], $0x0  }
0x24: {  	s3 =	sadd.s32 $0x88, s3;
	s6 =	simm.s32 @!p1 $0x1082;
	[sflag:s4] =	ssyncset.s32 $0xFFFFF086  }
0x25: {  	[simem:s6], [sflag:s4] =	dma.local [hbm:s3], $0xF7A  }
0x26: {  	[smem:$0x3F9E] =	sst s1;
	(tag) =	ssettag s2;
	_ =	strace s9  }
0x27: {  	s1 =	sld [smem:$0x3FAE]  }
0x28: {  	s2 =	sld [smem:$0x3FAF]  }
0x29: {  	s4 =	sld [smem:$0x3FB1]  }
0x2a: {  	p0 =	seq.s32 s5, $0x0;
	s5 =	sld [smem:$0x3FB2]  }
0x2b: {  	s6 =	sld [smem:$0x3FB3]  }
0x2c: {  	s7 =	sld [smem:$0x3FB4]  }
0x2d: {  	s3 =	simm.s32 $0x108;
	s8 =	sld [smem:$0x3FB5]  }
0x2e: {  	s3 =	simm.s32 @!p0 $0x1082;
	s9 =	sld [smem:$0x3FB6]  }
0x2f: {  	lr =	sadd.s32 s0, s3;
	s0 =	sld [smem:$0x3FAD]  }
0x30: {  	s3 =	sld [smem:$0x3FB0]  }
0x31: {  	[smem:$0x3FB9] =	sst s10  }
0x32: {  	s10 =	sld [smem:$0x3FB7];
	_ =	sdelay $0x3  }
0x33: {  	p0 =	seq.s32 s10, $0x1;
	s10 =	sld [smem:$0x3FB9];
	_ =	sdelay $0x3  }
0x34: {  	[smem:$0x3FB9] =	sst s10  }
0x35: {  	s10 =	sld [smem:$0x3FB8];
	_ =	sdelay $0x3  }
0x36: {  	p1 =	seq.s32 s10, $0x1;
	s10 =	sld [smem:$0x3FB9];
	_ =	sdelay $0x3  }
0x37: {  	[smem:$0x3FB9] =	sst s10  }
0x38: {  	s10 =	sld [smem:$0x3FBA]  }
0x39: {  	_ = 	snop;
	(pc) =	sbr.ind lr, $3  }
0x3a: {  	_ = 	snop  }
0x3b: {  	_ = 	snop  }
0x3c: {  	p2 =	seq.s32 s10, $0x1;
	s10 =	sld [smem:$0x3FB9]  }
0x3d: {  	_ =	shalt  }
0x3e: {  	_ =	shalt  }
0x3f: {  	_ =	shalt  }
0x40: {  	_ =	shalt  }
0x41: {  	_ =	shalt  }
0x42: {  	_ =	shalt  }
0x43: {  	_ =	shalt  }
0x44: {  	_ =	shalt  }
0x45: {  	_ =	shalt  }
0x46: {  	_ =	shalt  }
0x47: {  	_ =	shalt  }
0x48: {  	_ =	shalt  }
0x49: {  	_ =	shalt  }
0x4a: {  	_ =	shalt  }
0x4b: {  	_ =	shalt  }
0x4c: {  	_ =	shalt  }
0x4d: {  	_ =	shalt  }
0x4e: {  	_ =	shalt  }
0x4f: {  	_ =	shalt  }
0x50: {  	_ =	shalt  }
0x51: {  	_ =	shalt  }
0x52: {  	_ =	shalt  }
0x53: {  	_ =	shalt  }
0x54: {  	_ =	shalt  }
0x55: {  	_ =	shalt  }
0x56: {  	_ =	shalt  }
0x57: {  	_ =	shalt  }
0x58: {  	_ =	shalt  }
0x59: {  	_ =	shalt  }
0x5a: {  	_ =	shalt  }
0x5b: {  	_ =	shalt  }
0x5c: {  	_ =	shalt  }
0x5d: {  	_ =	shalt  }
0x5e: {  	_ =	shalt  }
0x5f: {  	_ =	shalt  }
0x60: {  	_ =	shalt  }
0x61: {  	_ =	shalt  }
0x62: {  	_ =	shalt  }
0x63: {  	_ =	shalt  }
0x64: {  	_ =	shalt  }
0x65: {  	_ =	shalt  }
0x66: {  	_ =	shalt  }
0x67: {  	_ =	shalt  }
0x68: {  	_ =	shalt  }
0x69: {  	_ =	shalt  }
0x6a: {  	_ =	shalt  }
0x6b: {  	_ =	shalt  }
0x6c: {  	_ =	shalt  }
0x6d: {  	_ =	shalt  }
0x6e: {  	_ =	shalt  }
0x6f: {  	_ =	shalt  }
0x70: {  	_ =	shalt  }
0x71: {  	_ =	shalt  }
0x72: {  	_ =	shalt  }
0x73: {  	_ =	shalt  }
0x74: {  	_ =	shalt  }
0x75: {  	_ =	shalt  }
0x76: {  	_ =	shalt  }
0x77: {  	_ =	shalt  }
0x78: {  	_ =	shalt  }
0x79: {  	_ =	shalt  }
0x7a: {  	_ =	shalt  }
0x7b: {  	_ =	shalt  }
0x7c: {  	_ =	shalt  }
0x7d: {  	_ =	shalt  }
0x7e: {  	_ =	shalt  }
0x7f: {  	_ =	shalt  }
0x80: {  	_ =	shalt  }
0x81: {  	_ =	shalt  }
0x82: {  	_ =	shalt  }
0x83: {  	_ =	shalt  }
0x84: {  	_ =	shalt  }
0x85: {  	_ =	shalt  }
0x86: {  	_ =	shalt  }
0x87: {  	_ =	shalt  }
.Lfunc_end0:
.L_simem_size_0:
called_computation_lowered:
.L_overlay_start_0:
0x88: {  	s2 =	sld [smem:$0x3FD9]  }
0x89: {  	s3 =	sld [smem:$0x3FFE];
	_ =	sdelay $0x1  }
0x8a: {  	s1 =	srdreg.scid  }
0x8b: {  	s0 =	sand.u32 $0x1, s1  }
0x8c: {  	s18 =	sshll.u32 s0, $0xA;
	s2 =	sadd.s32 s3, s2  }
0x8d: {  	s2 =	sadd.s32 s2, s18  }
0x8e: {  	[smem:$0x3FC5] =	sst s2  }
0x8f: {  	_ = 	snop  }
0x90: {  	s2 =	sld [smem:$0x3FC9]  }
0x91: {  	s19 =	sld [smem:$0x3FC8]  }
0x92: {  	s4 =	sld [smem:$0x3FC7]  }
0x93: {  	s5 =	sld [smem:$0x3FD0];
	(tm) =	ssettm $0x1  }
0x94: {  	s6 =	sld [smem:$0x3FFB];
	_ =	sdelay $0x3  }
0x95: {  	_ =	strace s6  }
0x96: {  	s6 =	sld [smem:$0x3FFC];
	_ =	sdelay $0x3  }
0x97: {  	_ =	strace s6  }
0x98: {  	s6 =	sld [smem:$0x3FFD];
	_ =	sdelay $0x3  }
0x99: {  	_ =	strace s6  }
0x9a: {  	_ =	strace $0x8FFFFFFF  }
0x9b: {  	s20 =	sld [smem:$0x3FDB];
	_ =	sdelay $0x1  }
0x9c: {  	s7 =	simm.s32 $_scs_section_size  }
0x9d: {  	s8 =	simm.s32 $_size__tile_overlayer_lowered;
	s9 =	simm.s32 $_tile_overlayer_lowered  }
0x9e: {  	s23 =	simm.s32 $0x1BFF;
	s22 =	sshll.u32 s9, $0x1;
	s6 =	sadd.s32 s7, s20  }
0x9f: {  	s10 =	simm.s32 $0x0;
	s21 =	sshll.u32 s8, $0x1;
	s8 =	sadd.s32 s22, s6  }
0xa0: {  	[timem:s10], [sflag:s23] =	dma.local [hbm:s8], s21  }
0xa1: {  	_ =	swait.ge [sflag:s23], s21  }
0xa2: {  	s7 =	ssub.s32 $0x0, s21;
	[sflag:s23] =	ssyncset.done $0x0  }
0xa3: {  	[sflag:s23] =	ssyncadd.s32 s7;
	_ =	sdelay $0x1  }
0xa4: {  	s24 =	simm.s32 $0x1B8B  }
0xa5: {  	_ =	swait.ge [sflag:s24], $0x1  }
0xa6: {  	[sflag:s24] =	ssyncset.done $0x0  }
0xa7: {  	s25 =	simm.s32 $0x1B8E;
	[sflag:s24] =	ssyncadd.s32 $0xFFFFFFFF  }
0xa8: {  	s26 =	simm.s32 $execute0_lowered;
	[smem:$0x3FD2] =	sst s25  }
0xa9: {  	s7 =	sshll.u32 s26, $0x1;
	_ =	strace $0x80000046;
	[dreg:$0x1] =	wrdreg $0xFFFFFFFF  }
0xaa: {  	s28 =	simm.s32 $_size_execute0_lowered;
	s6 =	sadd.s32 s6, s7;
	[dreg:$0x0] =	wrdreg $0x0  }
0xab: {  	s7 =	sshll.u32 s28, $0x1;
	[dreg:$0x2] =	wrdreg s6  }
0xac: {  	[dreg:$0x3] =	wrdreg s7  }
0xad: {  	[dreg:$0x4] =	wrdreg $0xC0  }
0xae: {  	_ =	task [dreg:s10], $0x5FFFF  }
0xaf: {  	[dreg:$0x1] =	wrdreg $0xFFFFFFFF  }
0xb0: {  	[dreg:$0x0] =	wrdreg $0x60  }
0xb1: {  	[dreg:$0x2] =	wrdreg s2  }
0xb2: {  	[dreg:$0x3] =	wrdreg s19  }
0xb3: {  	[dreg:$0x4] =	wrdreg s4  }
0xb4: {  	[dreg:$0x5] =	wrdreg s5  }
0xb5: {  	[dreg:$0x6] =	wrdreg $0x9  }
0xb6: {  	_ =	task.clear_ibuf [dreg:s10], $0x7FFFF;
	_ =	strace $0x90000046  }
0xb7: {  	s29 =	simm.s32 $0x9;
	_ =	strace $0x80000048  }
0xb8: {  	_ =	swait.ge [sflag:s29], $0x1  }
0xb9: {  	[sflag:s29] =	ssyncadd.s32 $0xFFFFFFFF  }
0xba: {  	_ =	strace $0x90000048  }
0xbb: {  	_ =	sfence  }
0xbc: {  	s30 =	sld [smem:$0x0];
	_ =	sdelay $0x2  }
0xbd: {  	s31 =	sshll.u32 s1, $0xD;
	s1 =	sshrl.u32 s1, $0x2  }
0xbe: {  	s3 =	sand.u32 $0x4000, s31;
	s1 =	sadd.s32 s1, s30  }
0xbf: {  	s0 =	sor.u32 s3, s0;
	s1 =	sshll.u32 s1, $0x11  }
0xc0: {  	s0 =	sor.u32 s1, s0  }
0xc1: {  	s0 =	sadd.s32 $0x8F2B, s0  }
0xc2: {  	[sflag:s0] =	ssyncadd.remote.s32 $0x1  }
0xc3: {  	_ =	sfence.sel $0xFFFF  }
0xc4: {  	[dreg:$0x0] =	wrdreg $0xFFFFFFFF;
	(pc) =	sbr.abs _section_cstart, $3  }
0xc5: {  	[dreg:$0x1] =	wrdreg $0xFFFFFFFF  }
0xc6: {  	_ =	task.clear_ibuf [dreg:s10], $0x2FFFF;
	_ =	strace $0x9FFFFFFF  }
0xc7: {  	(tm) =	ssettm $0x7FFFFFFF  }
tec
execute0_lowered:
.L_overlay_start_1:
0x0: {  	(tag) =	ssettag $0x1  }
0x1: {  	s15 =	rddreg [dreg:$0x0]  }
0x2: {  	s4 =	rddreg [dreg:$0x1];
	s1 =	srdreg.scid  }
0x3: {  	s2 =	rddreg [dreg:$0x2];
	s0 =	stileid.u32;
	s25 =	sand.u32 $0x1, s1  }
0x4: {  	s23 =	rddreg [dreg:$0x3];
	s5 =	sshll.u32 s0, $0x8;
	s6 =	sshll.u32 s25, $0x7  }
0x5: {  	s3 =	simm.s32 $0x0;
	s1 =	rddreg [dreg:$0x4];
	s5 =	sor.u32 s6, s5  }
0x6: {  	[smem:$0x7FF] =	sst s3;
	s6 =	sshrl.u32 s5, $0x3  }
0x7: {  	_ =	strace $0x80000047;
	s16 =	sshll.u32 s5, $0x4;
	s4 =	sadd.s32 s4, s6  }
0x8: {  	[tilespmem:s3], [sflag:$0x1] =	stream.linear.gather [hbm4b:s4+s3], $0x80, $0x38;
	[tilespmem:$0x4080] =	vst v63  }
0x9: {  	s7 =	simm.s32 $0x1;
	s5 =	sadd.s32 s15, s16;
	s6 =	simm.s32 $0x80  }
0xa: {  	[tilespmem:s6], [sflag:$0x2] =	stream.linear.gather [hbm4b:s5+s3], $0x1800, $0x38;
	[tilespmem:$0x4080] =	vst v63  }
0xb: {  	_ =	swait.ge [sflag:s7], $0x80  }
0xc: {  	[sflag:s7] =	ssyncset.done $0x0  }
0xd: {  	s8 =	simm.s32 $0x2;
	[sflag:s7] =	ssyncadd.s32 $0xFFFFFF80  }
0xe: {  	_ =	swait.ge [sflag:s8], $0x1800  }
0xf: {  	[sflag:s8] =	ssyncset.done $0x0  }
0x10: {  	s9 =	simm.s32 $0x30;
	s18 =	sor.u32 $0x300, s16;
	[sflag:s8] =	ssyncadd.s32 $0xFFFFE800  }
0x11: {  	[tilespmem:s6], [sflag:$0x5] =	stream.indirect.gather.add.f32 [hbm:s2], $0x80, s3, s9, $0xb8;
	[tilespmem:$0x4080] =	vst v63  }
0x12: {  	s11 =	simm.s32 $0x1880;
	s12 =	simm.s32 $0x5;
	s10 =	sadd.s32 s15, s18  }
0x13: {  	[tilespmem:s11], [sflag:$0x3] =	stream.linear.gather [hbm4b:s10+s3], $0x1800, $0x38;
	[tilespmem:$0x4080] =	vst v63  }
0x14: {  	_ =	swait.ge [sflag:s12], $0x1800  }
0x15: {  	[sflag:s12] =	ssyncset.done $0x0  }
0x16: {  	s14 =	simm.s32 $0x3;
	s13 =	sadd.s32 s23, s16;
	[sflag:s12] =	ssyncadd.s32 $0xFFFFE800  }
0x17: {  	[hbm4b:s13+s3] =	stream.linear.scatter [tilespmem:s6], [sflag:$0x8], $0x1800, $0x38;
	[tilespmem:$0x4080] =	vst v63  }
0x18: {  	_ =	swait.ge [sflag:s14], $0x1800  }
0x19: {  	[sflag:s14] =	ssyncset.done $0x0  }
0x1a: {  	s24 =	sor.u32 $0x600, s16;
	[sflag:s14] =	ssyncadd.s32 $0xFFFFE800  }
0x1b: {  	[tilespmem:s11], [sflag:$0x6] =	stream.indirect.gather.add.f32 [hbm:s2], $0x80, s9, s9, $0xb8;
	[tilespmem:$0x4080] =	vst v63  }
0x1c: {  	s17 =	simm.s32 $0x6;
	s16 =	simm.s32 $0x3080;
	s15 =	sadd.s32 s15, s24  }
0x1d: {  	[tilespmem:s16], [sflag:$0x4] =	stream.linear.gather [hbm4b:s15+s3], $0x1000, $0x38;
	[tilespmem:$0x4080] =	vst v63  }
0x1e: {  	_ =	swait.ge [sflag:s17], $0x1800  }
0x1f: {  	[sflag:s17] =	ssyncset.done $0x0  }
0x20: {  	s19 =	simm.s32 $0x4;
	s18 =	sadd.s32 s23, s18;
	[sflag:s17] =	ssyncadd.s32 $0xFFFFE800  }
0x21: {  	[hbm4b:s18+s3] =	stream.linear.scatter [tilespmem:s11], [sflag:$0x9], $0x1800, $0x38;
	[tilespmem:$0x4080] =	vst v63  }
0x22: {  	_ =	swait.ge [sflag:s19], $0x1000  }
0x23: {  	s20 =	simm.s32 $0x20;
	[sflag:s19] =	ssyncset.done $0x0  }
0x24: {  	s21 =	simm.s32 $0x60;
	s22 =	simm.s32 $0x7;
	[sflag:s19] =	ssyncadd.s32 $0xFFFFF000  }
0x25: {  	[tilespmem:s16], [sflag:$0x7] =	stream.indirect.gather.add.f32 [hbm:s2], $0x80, s21, s20, $0xb8;
	[tilespmem:$0x4080] =	vst v63  }
0x26: {  	s26 =	ssub.s32 $0x2, s25;
	_ =	swait.ge [sflag:s22], $0x1000  }
0x27: {  	s28 =	sshrl.u32 s26, $0x1;
	[sflag:s22] =	ssyncset.done $0x0  }
0x28: {  	s23 =	sadd.s32 s23, s24;
	s24 =	simm.s32 $0x8;
	[sflag:s22] =	ssyncadd.s32 $0xFFFFF000  }
0x29: {  	[hbm4b:s23+s3] =	stream.linear.scatter [tilespmem:s16], [sflag:$0xA], $0x1000, $0x38;
	[tilespmem:$0x4080] =	vst v63  }
0x2a: {  	s26 =	ssub.s32 s26, s28;
	_ =	swait.ge [sflag:s24], $0x1800  }
0x2b: {  	s28 =	smax.u32 s26, $0x1;
	[sflag:s24] =	ssyncset.done $0x0  }
0x2c: {  	s25 =	simm.s32 $0x9;
	p0 =	sne.s32 s28, $0x1;
	[sflag:s24] =	ssyncadd.s32 $0xFFFFE800  }
.Ltmp0:
0x2d: {  	_ =	swait.ge [sflag:s25], $0x1800;
	(pc) =	sbr.rel @!p0 .LBB2_2-.Ltmp0, $4  }
0x2e: {  	[sflag:s25] =	ssyncset.done $0x0  }
0x2f: {  	s26 =	simm.s32 $0xA;
	[sflag:s25] =	ssyncadd.s32 $0xFFFFE800  }
0x30: {  	_ =	swait.ge [sflag:s26], $0x1000  }
0x31: {  	s28 =	sadd.s32 $0xFFFFFFFF, s28;
	[sflag:s26] =	ssyncset.done $0x0  }
.LBB2_1:
0x32: {  	p0 =	sne.s32 s28, $0x1;
	s28 =	sadd.s32 $0xFFFFFFFF, s28;
	[sflag:s26] =	ssyncadd.s32 $0xFFFFF000  }
0x33: {  	[tilespmem:s3], [sflag:$0x1] =	stream.linear.gather [hbm4b:s4+s3], $0x80, $0x38;
	[tilespmem:$0x4080] =	vst v63  }
0x34: {  	_ = 	snop  }
0x35: {  	[tilespmem:s6], [sflag:$0x2] =	stream.linear.gather [hbm4b:s5+s3], $0x1800, $0x38;
	[tilespmem:$0x4080] =	vst v63  }
0x36: {  	_ =	swait.ge [sflag:s7], $0x80  }
0x37: {  	[sflag:s7] =	ssyncset.done $0x0  }
0x38: {  	[sflag:s7] =	ssyncadd.s32 $0xFFFFFF80  }
0x39: {  	_ =	swait.ge [sflag:s8], $0x1800  }
0x3a: {  	[sflag:s8] =	ssyncset.done $0x0  }
0x3b: {  	[sflag:s8] =	ssyncadd.s32 $0xFFFFE800  }
0x3c: {  	[tilespmem:s6], [sflag:$0x5] =	stream.indirect.gather.add.f32 [hbm:s2], $0x80, s3, s9, $0xb8;
	[tilespmem:$0x4080] =	vst v63  }
0x3d: {  	_ = 	snop  }
0x3e: {  	[tilespmem:s11], [sflag:$0x3] =	stream.linear.gather [hbm4b:s10+s3], $0x1800, $0x38;
	[tilespmem:$0x4080] =	vst v63  }
0x3f: {  	_ =	swait.ge [sflag:s12], $0x1800  }
0x40: {  	[sflag:s12] =	ssyncset.done $0x0  }
0x41: {  	[sflag:s12] =	ssyncadd.s32 $0xFFFFE800  }
0x42: {  	[hbm4b:s13+s3] =	stream.linear.scatter [tilespmem:s6], [sflag:$0x8], $0x1800, $0x38;
	[tilespmem:$0x4080] =	vst v63  }
0x43: {  	_ =	swait.ge [sflag:s14], $0x1800  }
0x44: {  	[sflag:s14] =	ssyncset.done $0x0  }
0x45: {  	[sflag:s14] =	ssyncadd.s32 $0xFFFFE800  }
0x46: {  	[tilespmem:s11], [sflag:$0x6] =	stream.indirect.gather.add.f32 [hbm:s2], $0x80, s9, s9, $0xb8;
	[tilespmem:$0x4080] =	vst v63  }
0x47: {  	_ = 	snop  }
0x48: {  	[tilespmem:s16], [sflag:$0x4] =	stream.linear.gather [hbm4b:s15+s3], $0x1000, $0x38;
	[tilespmem:$0x4080] =	vst v63  }
0x49: {  	_ =	swait.ge [sflag:s17], $0x1800  }
0x4a: {  	[sflag:s17] =	ssyncset.done $0x0  }
0x4b: {  	[sflag:s17] =	ssyncadd.s32 $0xFFFFE800  }
0x4c: {  	[hbm4b:s18+s3] =	stream.linear.scatter [tilespmem:s11], [sflag:$0x9], $0x1800, $0x38;
	[tilespmem:$0x4080] =	vst v63  }
0x4d: {  	_ =	swait.ge [sflag:s19], $0x1000  }
0x4e: {  	[sflag:s19] =	ssyncset.done $0x0  }
0x4f: {  	[sflag:s19] =	ssyncadd.s32 $0xFFFFF000  }
0x50: {  	[tilespmem:s16], [sflag:$0x7] =	stream.indirect.gather.add.f32 [hbm:s2], $0x80, s21, s20, $0xb8;
	[tilespmem:$0x4080] =	vst v63  }
0x51: {  	_ =	swait.ge [sflag:s22], $0x1000  }
0x52: {  	[sflag:s22] =	ssyncset.done $0x0  }
0x53: {  	[sflag:s22] =	ssyncadd.s32 $0xFFFFF000  }
0x54: {  	[hbm4b:s23+s3] =	stream.linear.scatter [tilespmem:s16], [sflag:$0xA], $0x1000, $0x38;
	[tilespmem:$0x4080] =	vst v63  }
0x55: {  	_ =	swait.ge [sflag:s24], $0x1800  }
0x56: {  	[sflag:s24] =	ssyncset.done $0x0  }
0x57: {  	[sflag:s24] =	ssyncadd.s32 $0xFFFFE800  }
.Ltmp1:
0x58: {  	_ =	swait.ge [sflag:s25], $0x1800;
	(pc) =	sbr.rel @p0 .LBB2_1-.Ltmp1, $4  }
0x59: {  	[sflag:s25] =	ssyncset.done $0x0  }
0x5a: {  	[sflag:s25] =	ssyncadd.s32 $0xFFFFE800  }
0x5b: {  	_ =	swait.ge [sflag:s26], $0x1000  }
0x5c: {  	[sflag:s26] =	ssyncset.done $0x0  }
.LBB2_2:
0x5d: {  	[sflag:s26] =	ssyncadd.s32 $0xFFFFF000  }
0x5e: {  	_ =	sfence.sel $0x180000  }
0x5f: {  	[bflag:$0x0] =	sbarrier.arrive $0xFFFF  }
0x60: {  	p0 =	sne.s32 s0, $0x0;
	_ =	strace $0x90000047  }
0x61: {  	s0 =	sadd.s32 @!p0 $0x100000, s1;
	[bflag:$0x2] =	sbarrier.arrive $0xFFFF  }
0x62: {  	[sflag:s0] =	ssyncadd.tile.s32 @!p0 $0x1;
	_ =	shalt  }
.Lfunc_end2:
_tile_overlayer_lowered:
.L_overlay_start_2:
0x63: {  	(tag) =	ssettag $0x2  }
0x64: {  	s0 =	rddreg [dreg:$0x0];
	s2 =	stileid.u32  }
0x65: {  	s1 =	rddreg [dreg:$0x1];
	p0 =	sne.s32 s2, $0x0  }
0x66: {  	s3 =	rddreg [dreg:$0x2];
	[bflag:$0x3] =	sbarrier.arrive $0xFFFF;
	s2 =	simm.s32 @!p0 $0x1C0B  }
0x67: {  	[timem:s3], [sflag:s2] =	dma.local @!p0 [hbm:s0], s1  }
0x68: {  	s0 =	simm.s32 @!p0 $0xB  }
0x69: {  	_ =	swait.ge @!p0 [sflag:s0], s1  }
0x6a: {  	s1 =	ssub.s32 @!p0 $0x0, s1;
	[sflag:s0] =	ssyncset.done @!p0 $0x0  }
0x6b: {  	[sflag:s0] =	ssyncadd.s32 @!p0 s1  }
0x6c: {  	[bflag:$0x3] =	sbarrier.arrive $0xFFFF  }
0x6d: {  	_ =	shalt  }

</sc_bundles>
